<compile_context>
chip_gen: v7x
topology: tpu7x:2x2x1
jax: 0.10.2.dev20260603
libtpu: 0.0.44.dev20260713+nightly
codegen_flags: <defaults>
</compile_context>

<pallas_src>
import functools

import jax
import jax.numpy as jnp
import numpy as np
from jax import lax
from jax.experimental import pallas as pl
from jax.experimental.pallas import tpu as pltpu
from jax.experimental.pallas import tpu_sc as plsc

D_MODEL, D_K, D_V, N_Q = 1024, 128, 128, 64
B, T = 4, 2048
TH = T // 2
BT = B * T

_SC_INFO = plsc.get_sparse_core_info()
_NC, _NS, _L = _SC_INFO.num_cores, _SC_INFO.num_subcores, _SC_INFO.num_lanes
_NW = _NC * _NS
_TPW = BT // _NW


def _route_half(x, q_ref, wk_ref):
    k = jax.lax.dot_general(
        x, wk_ref[...], (((1,), (1,)), ((), ())),
        preferred_element_type=jnp.float32)
    attn = jax.lax.dot_general(
        k, q_ref[...], (((1,), (1,)), ((), ())),
        preferred_element_type=jnp.float32) * (1.0 / np.sqrt(N_Q))
    m = jnp.max(attn, axis=-1, keepdims=True)
    iota = jax.lax.broadcasted_iota(jnp.int32, attn.shape, 1)
    idx = jnp.min(jnp.where(attn == m, iota, N_Q), axis=-1, keepdims=True)
    onehot = (iota == idx).astype(jnp.float32)
    xsum = jax.lax.dot_general(
        onehot, x, (((0,), (0,)), ((), ())),
        preferred_element_type=jnp.float32)
    return idx, xsum


def _tc_body(xlo_ref, xhi_ref, q_ref, wk_ref, wv_ref, wfc_ref,
             out_ref, idx_ref):
    idx_lo, xsum_lo = _route_half(xlo_ref[0], q_ref, wk_ref)
    idx_hi, xsum_hi = _route_half(xhi_ref[0], q_ref, wk_ref)
    idx_ref[0, 0, :TH] = idx_lo.reshape(1, TH)[0]
    idx_ref[0, 0, TH:] = idx_hi.reshape(1, TH)[0]
    xsum = xsum_lo + xsum_hi
    vslot = jax.lax.dot_general(
        xsum, wv_ref[...], (((1,), (1,)), ((), ())),
        preferred_element_type=jnp.float32)
    out_ref[0] = jax.lax.dot_general(
        vslot, wfc_ref[...], (((1,), (1,)), ((), ())),
        preferred_element_type=jnp.float32)


def _tc_call(x, q, Wk, Wv, Wfc):
    return pl.pallas_call(
        _tc_body,
        grid=(B,),
        in_specs=[
            pl.BlockSpec((1, TH, D_MODEL), lambda b: (b, 0, 0)),
            pl.BlockSpec((1, TH, D_MODEL), lambda b: (b, 1, 0)),
            pl.BlockSpec((N_Q, D_K), lambda b: (0, 0)),
            pl.BlockSpec((D_K, D_MODEL), lambda b: (0, 0)),
            pl.BlockSpec((D_V, D_MODEL), lambda b: (0, 0)),
            pl.BlockSpec((D_MODEL, D_V), lambda b: (0, 0)),
        ],
        out_specs=[
            pl.BlockSpec((1, N_Q, D_MODEL), lambda b: (b, 0, 0)),
            pl.BlockSpec((1, 1, T), lambda b: (b, 0, 0)),
        ],
        out_shape=[
            jax.ShapeDtypeStruct((B, N_Q, D_MODEL), jnp.float32),
            jax.ShapeDtypeStruct((B, 1, T), jnp.int32),
        ],
        compiler_params=pltpu.CompilerParams(
            dimension_semantics=("arbitrary",),
        ),
    )(x, x, q, Wk, Wv, Wfc)


@functools.partial(
    pl.kernel,
    mesh=plsc.VectorSubcoreMesh(core_axis_name="c", subcore_axis_name="s"),
    out_type=jax.ShapeDtypeStruct((BT * N_Q,), jnp.float32),
    scratch_types=[
        pltpu.VMEM((_TPW,), jnp.int32),
        pltpu.VMEM((_TPW * N_Q,), jnp.float32),
    ],
    compiler_params=pltpu.CompilerParams(needs_layout_passes=False),
)
def _sc_onehot(idx_hbm, out_hbm, idx_v, rows_v):
    wid = lax.axis_index("s") * _NC + lax.axis_index("c")
    base = wid * _TPW
    pltpu.sync_copy(idx_hbm.at[pl.ds(base, _TPW)], idx_v)
    zeros = jnp.zeros((_L,), jnp.float32)

    def _zero_body(j, carry):
        rows_v[pl.ds(j * _L, _L)] = zeros
        return carry

    lax.fori_loop(0, (_TPW * N_Q) // _L, _zero_body, 0, unroll=8)

    ones = jnp.ones((_L,), jnp.float32)
    lane = lax.iota(jnp.int32, _L)

    def _scatter_body(g, carry):
        slot = idx_v[pl.ds(g * _L, _L)]
        flat = (g * _L + lane) * N_Q + slot
        plsc.store_scatter(rows_v, [flat], ones)
        return carry

    lax.fori_loop(0, _TPW // _L, _scatter_body, 0, unroll=4)

    pltpu.sync_copy(rows_v, out_hbm.at[pl.ds(base * N_Q, _TPW * N_Q)])


@jax.jit
def kernel(x, q, Wk, Wv, Wfc):
    out, idx = _tc_call(x, q, Wk, Wv, Wfc)
    hard_flat = _sc_onehot(idx.reshape(BT))
    return out, hard_flat.reshape(B, T, N_Q)

# --- scband reference (transcript-rebuilt; emitter-appended) ---
"""Pipeline reference for scband-cross-attention-78271484002687 (READ-ONLY COPY).

The authoritative reference and input builder live on the scoring server;
editing this copy changes nothing except your own understanding.
"""

import jax, jax.numpy as jnp
import numpy as np

D_MODEL, D_K, D_V, N_Q = 1024, 128, 128, 64
B, T = 4, 2048


def setup_inputs(seed: int = 0) -> dict:
    key = jax.random.key(seed)
    ks = jax.random.split(key, 5)
    x = jax.random.normal(ks[0], (B, T, D_MODEL), dtype=jnp.float32)
    q = jax.random.normal(ks[1], (N_Q, D_K), dtype=jnp.float32)
    Wk = jax.random.normal(ks[2], (D_K, D_MODEL), dtype=jnp.float32) * np.sqrt(2.0 / (D_MODEL + D_K))
    Wv = jax.random.normal(ks[3], (D_V, D_MODEL), dtype=jnp.float32) * np.sqrt(2.0 / (D_MODEL + D_V))
    Wfc = jax.random.normal(ks[4], (D_MODEL, D_V), dtype=jnp.float32) * np.sqrt(2.0 / (D_V + D_MODEL))
    return {"x": x, "q": q, "Wk": Wk, "Wv": Wv, "Wfc": Wfc}


def reference(x, q, Wk, Wv, Wfc):
    # x: [B, T, d_model] -> permute to [B, d_model, T]
    xp = jnp.transpose(x, (0, 2, 1))
    # kernel_size=1 Conv1d == per-token linear projection
    k = jnp.einsum('kd,bdt->bkt', Wk, xp)  # [B, d_k, T]
    v = jnp.einsum('vd,bdt->bvt', Wv, xp)  # [B, d_v, T]
    n_q = q.shape[0]
    # q broadcast: [b, d_k, n_q]; attn = einsum('bkt,bkl->blt') with t=n_q, l=T
    # note: original scales by sqrt(q.shape[-1]) == sqrt(n_q)
    attn = jnp.einsum('qk,bkl->blq', q, k) / np.sqrt(n_q)  # [B, T, n_q]
    # eval path: hard one-hot via argmax over slots, then scatter into one-hot
    hard = jnp.argmax(attn, axis=-1)  # [B, T] int routing assignment
    hardattn = jax.nn.one_hot(hard, n_q, dtype=attn.dtype)  # [B, T, n_q]
    # output = einsum('btl,bvt->blv'): hard-routed aggregation of token values into slots
    output = jnp.einsum('btl,bvt->blv', hardattn, v)  # [B, n_q, d_v]
    # rearrange b l v -> b v l, fc conv1d (d_v -> d_model), permute back -> [B, n_q, d_model]
    out = jnp.einsum('mv,blv->blm', Wfc, output)  # [B, n_q, d_model]
    # dropout is identity in eval mode
    return (out, hardattn)

if __name__ == "__main__":
    import jax
    _d = setup_inputs()
    print(jax.jit(kernel)(*tuple(_d.values())))

</pallas_src>

<mosaic_0001>
#map = affine_map<(d0, d1) -> (0)>
module attributes {stable_mosaic.version = 14 : i64} {
  func.func @_sc_onehot(%arg0: i32, %arg1: i32, %arg2: memref<8192xi32, #tpu.memory_space<hbm>>, %arg3: memref<524288xf32, #tpu.memory_space<hbm>>, %arg4: memref<256xi32, #tpu.memory_space<vmem>>, %arg5: memref<16384xf32, #tpu.memory_space<vmem>>) attributes {dimension_semantics = [#tpu.dimension_semantics<core_parallel>, #tpu.dimension_semantics<subcore_parallel>], iteration_bounds = array<i64: 2, 16>, scalar_prefetch = 0 : i64, scratch_operands = 2 : i64, tpu.core_type = #tpu.core_type<sc_vector_subcore>, window_params = [{transform_indices = #map}, {transform_indices = #map}]} {
    %mul3A = arith.constant 2 : i32
    %mul3A_0 = arith.muli %arg1, %mul3A : i32
    %add3A = arith.addi %mul3A_0, %arg0 : i32
    %mul3A_1 = arith.constant 256 : i32
    %mul3A_2 = arith.muli %add3A, %mul3A_1 : i32
    "tpu.region"() ({
      %run_scoped3A = tpu.sem_alloc : memref<!tpu.dma_semaphore, #tpu.memory_space<semaphore_mem>>
      %dma_start3A = tpu.memref_slice %arg2[%mul3A_2] : memref<8192xi32, #tpu.memory_space<hbm>> -> memref<256xi32, #tpu.memory_space<hbm>>
      %dma_start3A_19 = tpu.memref_slice %arg2[%mul3A_2] : memref<8192xi32, #tpu.memory_space<hbm>> -> memref<256xi32, #tpu.memory_space<hbm>>
      tpu.enqueue_dma source(%dma_start3A_19 : memref<256xi32, #tpu.memory_space<hbm>>) target(%arg4 : memref<256xi32, #tpu.memory_space<vmem>>) target_semaphore(%run_scoped3A : memref<!tpu.dma_semaphore, #tpu.memory_space<semaphore_mem>>)
      %dma_wait3A = tpu.memref_slice %arg2[%mul3A_2] : memref<8192xi32, #tpu.memory_space<hbm>> -> memref<256xi32, #tpu.memory_space<hbm>>
      %dma_wait3A_20 = tpu.memref_slice %arg2[%mul3A_2] : memref<8192xi32, #tpu.memory_space<hbm>> -> memref<256xi32, #tpu.memory_space<hbm>>
      tpu.wait_dma2 semaphore(%run_scoped3A : memref<!tpu.dma_semaphore, #tpu.memory_space<semaphore_mem>>) src(%dma_wait3A_20 : memref<256xi32, #tpu.memory_space<hbm>>) dst(%arg4 : memref<256xi32, #tpu.memory_space<vmem>>)
      tpu.yield
    }) : () -> ()
    %broadcast_in_dim3A = arith.constant 0.000000e+00 : f32
    %broadcast_in_dim3A_3 = vector.broadcast %broadcast_in_dim3A : f32 to vector<16xf32>
    %scan3A = arith.constant 0 : i32
    %scan3A_4 = arith.constant 0 : i32
    %scan3A_5 = arith.constant 1024 : i32
    %scan3A_6 = arith.addi %scan3A_4, %scan3A_5 : i32
    %scan3A_7 = arith.constant 8 : i32
    scf.for %scan3A_19 = %scan3A_4 to %scan3A_6 step %scan3A_7  : i32 {
      %mul3A_20 = arith.constant 16 : i32
      %mul3A_21 = arith.muli %scan3A_19, %mul3A_20 : i32
      %swap3A = arith.index_cast %mul3A_21 : i32 to index
      %swap3A_22 = tpu.vector_load %arg5[%swap3A] {strides = array<i32>} : memref<16384xf32, #tpu.memory_space<vmem>>, vector<16xf32>,
      tpu.vector_store %arg5[%swap3A], %broadcast_in_dim3A_3 {strides = array<i32>} : memref<16384xf32, #tpu.memory_space<vmem>>, vector<16xf32>,
      %scan3A_23 = arith.constant 1 : i32
      %scan3A_24 = arith.addi %scan3A_19, %scan3A_23 : i32
      %mul3A_25 = arith.constant 16 : i32
      %mul3A_26 = arith.muli %scan3A_24, %mul3A_25 : i32
      %swap3A_27 = arith.index_cast %mul3A_26 : i32 to index
      %swap3A_28 = tpu.vector_load %arg5[%swap3A_27] {strides = array<i32>} : memref<16384xf32, #tpu.memory_space<vmem>>, vector<16xf32>,
      tpu.vector_store %arg5[%swap3A_27], %broadcast_in_dim3A_3 {strides = array<i32>} : memref<16384xf32, #tpu.memory_space<vmem>>, vector<16xf32>,
      %scan3A_29 = arith.constant 2 : i32
      %scan3A_30 = arith.addi %scan3A_19, %scan3A_29 : i32
      %mul3A_31 = arith.constant 16 : i32
      %mul3A_32 = arith.muli %scan3A_30, %mul3A_31 : i32
      %swap3A_33 = arith.index_cast %mul3A_32 : i32 to index
      %swap3A_34 = tpu.vector_load %arg5[%swap3A_33] {strides = array<i32>} : memref<16384xf32, #tpu.memory_space<vmem>>, vector<16xf32>,
      tpu.vector_store %arg5[%swap3A_33], %broadcast_in_dim3A_3 {strides = array<i32>} : memref<16384xf32, #tpu.memory_space<vmem>>, vector<16xf32>,
      %scan3A_35 = arith.constant 3 : i32
      %scan3A_36 = arith.addi %scan3A_19, %scan3A_35 : i32
      %mul3A_37 = arith.constant 16 : i32
      %mul3A_38 = arith.muli %scan3A_36, %mul3A_37 : i32
      %swap3A_39 = arith.index_cast %mul3A_38 : i32 to index
      %swap3A_40 = tpu.vector_load %arg5[%swap3A_39] {strides = array<i32>} : memref<16384xf32, #tpu.memory_space<vmem>>, vector<16xf32>,
      tpu.vector_store %arg5[%swap3A_39], %broadcast_in_dim3A_3 {strides = array<i32>} : memref<16384xf32, #tpu.memory_space<vmem>>, vector<16xf32>,
      %scan3A_41 = arith.constant 4 : i32
      %scan3A_42 = arith.addi %scan3A_19, %scan3A_41 : i32
      %mul3A_43 = arith.constant 16 : i32
      %mul3A_44 = arith.muli %scan3A_42, %mul3A_43 : i32
      %swap3A_45 = arith.index_cast %mul3A_44 : i32 to index
      %swap3A_46 = tpu.vector_load %arg5[%swap3A_45] {strides = array<i32>} : memref<16384xf32, #tpu.memory_space<vmem>>, vector<16xf32>,
      tpu.vector_store %arg5[%swap3A_45], %broadcast_in_dim3A_3 {strides = array<i32>} : memref<16384xf32, #tpu.memory_space<vmem>>, vector<16xf32>,
      %scan3A_47 = arith.constant 5 : i32
      %scan3A_48 = arith.addi %scan3A_19, %scan3A_47 : i32
      %mul3A_49 = arith.constant 16 : i32
      %mul3A_50 = arith.muli %scan3A_48, %mul3A_49 : i32
      %swap3A_51 = arith.index_cast %mul3A_50 : i32 to index
      %swap3A_52 = tpu.vector_load %arg5[%swap3A_51] {strides = array<i32>} : memref<16384xf32, #tpu.memory_space<vmem>>, vector<16xf32>,
      tpu.vector_store %arg5[%swap3A_51], %broadcast_in_dim3A_3 {strides = array<i32>} : memref<16384xf32, #tpu.memory_space<vmem>>, vector<16xf32>,
      %scan3A_53 = arith.constant 6 : i32
      %scan3A_54 = arith.addi %scan3A_19, %scan3A_53 : i32
      %mul3A_55 = arith.constant 16 : i32
      %mul3A_56 = arith.muli %scan3A_54, %mul3A_55 : i32
      %swap3A_57 = arith.index_cast %mul3A_56 : i32 to index
      %swap3A_58 = tpu.vector_load %arg5[%swap3A_57] {strides = array<i32>} : memref<16384xf32, #tpu.memory_space<vmem>>, vector<16xf32>,
      tpu.vector_store %arg5[%swap3A_57], %broadcast_in_dim3A_3 {strides = array<i32>} : memref<16384xf32, #tpu.memory_space<vmem>>, vector<16xf32>,
      %scan3A_59 = arith.constant 7 : i32
      %scan3A_60 = arith.addi %scan3A_19, %scan3A_59 : i32
      %mul3A_61 = arith.constant 16 : i32
      %mul3A_62 = arith.muli %scan3A_60, %mul3A_61 : i32
      %swap3A_63 = arith.index_cast %mul3A_62 : i32 to index
      %swap3A_64 = tpu.vector_load %arg5[%swap3A_63] {strides = array<i32>} : memref<16384xf32, #tpu.memory_space<vmem>>, vector<16xf32>,
      tpu.vector_store %arg5[%swap3A_63], %broadcast_in_dim3A_3 {strides = array<i32>} : memref<16384xf32, #tpu.memory_space<vmem>>, vector<16xf32>,
    }
    %scan3A_8 = arith.constant 1024 : i32
    %broadcast_in_dim3A_9 = arith.constant 1.000000e+00 : f32
    %broadcast_in_dim3A_10 = vector.broadcast %broadcast_in_dim3A_9 : f32 to vector<16xf32>
    %iota3A = tpu.iota {dimensions = array<i32: 0>} : vector<16xi32>
    %scan3A_11 = arith.constant 0 : i32
    %scan3A_12 = arith.constant 0 : i32
    %scan3A_13 = arith.constant 16 : i32
    %scan3A_14 = arith.addi %scan3A_12, %scan3A_13 : i32
    %scan3A_15 = arith.constant 4 : i32
    scf.for %scan3A_19 = %scan3A_12 to %scan3A_14 step %scan3A_15  : i32 {
      %mul3A_20 = arith.constant 16 : i32
      %mul3A_21 = arith.muli %scan3A_19, %mul3A_20 : i32
      %get3A = arith.index_cast %mul3A_21 : i32 to index
      %get3A_22 = tpu.vector_load %arg4[%get3A] {strides = array<i32>} : memref<256xi32, #tpu.memory_space<vmem>>, vector<16xi32>,
      %mul3A_23 = arith.constant 16 : i32
      %mul3A_24 = arith.muli %scan3A_19, %mul3A_23 : i32
      %add3A_25 = vector.broadcast %mul3A_24 : i32 to vector<16xi32>
      %add3A_26 = arith.addi %add3A_25, %iota3A : vector<16xi32>
      %mul3A_27 = arith.constant 64 : i32
      %mul3A_28 = vector.broadcast %mul3A_27 : i32 to vector<16xi32>
      %mul3A_29 = arith.muli %add3A_26, %mul3A_28 : vector<16xi32>
      %add3A_30 = arith.addi %mul3A_29, %get3A_22 : vector<16xi32>
      tpu.vector_store_idx %arg5[%add3A_30], %broadcast_in_dim3A_10 : memref<16384xf32, #tpu.memory_space<vmem>>[vector<16xi32>], vector<16xf32>,
      %scan3A_31 = arith.constant 1 : i32
      %scan3A_32 = arith.addi %scan3A_19, %scan3A_31 : i32
      %mul3A_33 = arith.constant 16 : i32
      %mul3A_34 = arith.muli %scan3A_32, %mul3A_33 : i32
      %get3A_35 = arith.index_cast %mul3A_34 : i32 to index
      %get3A_36 = tpu.vector_load %arg4[%get3A_35] {strides = array<i32>} : memref<256xi32, #tpu.memory_space<vmem>>, vector<16xi32>,
      %mul3A_37 = arith.constant 16 : i32
      %mul3A_38 = arith.muli %scan3A_32, %mul3A_37 : i32
      %add3A_39 = vector.broadcast %mul3A_38 : i32 to vector<16xi32>
      %add3A_40 = arith.addi %add3A_39, %iota3A : vector<16xi32>
      %mul3A_41 = arith.constant 64 : i32
      %mul3A_42 = vector.broadcast %mul3A_41 : i32 to vector<16xi32>
      %mul3A_43 = arith.muli %add3A_40, %mul3A_42 : vector<16xi32>
      %add3A_44 = arith.addi %mul3A_43, %get3A_36 : vector<16xi32>
      tpu.vector_store_idx %arg5[%add3A_44], %broadcast_in_dim3A_10 : memref<16384xf32, #tpu.memory_space<vmem>>[vector<16xi32>], vector<16xf32>,
      %scan3A_45 = arith.constant 2 : i32
      %scan3A_46 = arith.addi %scan3A_19, %scan3A_45 : i32
      %mul3A_47 = arith.constant 16 : i32
      %mul3A_48 = arith.muli %scan3A_46, %mul3A_47 : i32
      %get3A_49 = arith.index_cast %mul3A_48 : i32 to index
      %get3A_50 = tpu.vector_load %arg4[%get3A_49] {strides = array<i32>} : memref<256xi32, #tpu.memory_space<vmem>>, vector<16xi32>,
      %mul3A_51 = arith.constant 16 : i32
      %mul3A_52 = arith.muli %scan3A_46, %mul3A_51 : i32
      %add3A_53 = vector.broadcast %mul3A_52 : i32 to vector<16xi32>
      %add3A_54 = arith.addi %add3A_53, %iota3A : vector<16xi32>
      %mul3A_55 = arith.constant 64 : i32
      %mul3A_56 = vector.broadcast %mul3A_55 : i32 to vector<16xi32>
      %mul3A_57 = arith.muli %add3A_54, %mul3A_56 : vector<16xi32>
      %add3A_58 = arith.addi %mul3A_57, %get3A_50 : vector<16xi32>
      tpu.vector_store_idx %arg5[%add3A_58], %broadcast_in_dim3A_10 : memref<16384xf32, #tpu.memory_space<vmem>>[vector<16xi32>], vector<16xf32>,
      %scan3A_59 = arith.constant 3 : i32
      %scan3A_60 = arith.addi %scan3A_19, %scan3A_59 : i32
      %mul3A_61 = arith.constant 16 : i32
      %mul3A_62 = arith.muli %scan3A_60, %mul3A_61 : i32
      %get3A_63 = arith.index_cast %mul3A_62 : i32 to index
      %get3A_64 = tpu.vector_load %arg4[%get3A_63] {strides = array<i32>} : memref<256xi32, #tpu.memory_space<vmem>>, vector<16xi32>,
      %mul3A_65 = arith.constant 16 : i32
      %mul3A_66 = arith.muli %scan3A_60, %mul3A_65 : i32
      %add3A_67 = vector.broadcast %mul3A_66 : i32 to vector<16xi32>
      %add3A_68 = arith.addi %add3A_67, %iota3A : vector<16xi32>
      %mul3A_69 = arith.constant 64 : i32
      %mul3A_70 = vector.broadcast %mul3A_69 : i32 to vector<16xi32>
      %mul3A_71 = arith.muli %add3A_68, %mul3A_70 : vector<16xi32>
      %add3A_72 = arith.addi %mul3A_71, %get3A_64 : vector<16xi32>
      tpu.vector_store_idx %arg5[%add3A_72], %broadcast_in_dim3A_10 : memref<16384xf32, #tpu.memory_space<vmem>>[vector<16xi32>], vector<16xf32>,
    }
    %scan3A_16 = arith.constant 16 : i32
    %mul3A_17 = arith.constant 64 : i32
    %mul3A_18 = arith.muli %mul3A_2, %mul3A_17 : i32
    "tpu.region"() ({
      %run_scoped3A = tpu.sem_alloc : memref<!tpu.dma_semaphore, #tpu.memory_space<semaphore_mem>>
      %dma_start3A = tpu.memref_slice %arg3[%mul3A_18] : memref<524288xf32, #tpu.memory_space<hbm>> -> memref<16384xf32, #tpu.memory_space<hbm>>
      %dma_start3A_19 = tpu.memref_slice %arg3[%mul3A_18] : memref<524288xf32, #tpu.memory_space<hbm>> -> memref<16384xf32, #tpu.memory_space<hbm>>
      tpu.enqueue_dma source(%arg5 : memref<16384xf32, #tpu.memory_space<vmem>>) target(%dma_start3A_19 : memref<16384xf32, #tpu.memory_space<hbm>>) target_semaphore(%run_scoped3A : memref<!tpu.dma_semaphore, #tpu.memory_space<semaphore_mem>>)
      %dma_wait3A = tpu.memref_slice %arg3[%mul3A_18] : memref<524288xf32, #tpu.memory_space<hbm>> -> memref<16384xf32, #tpu.memory_space<hbm>>
      %dma_wait3A_20 = tpu.memref_slice %arg3[%mul3A_18] : memref<524288xf32, #tpu.memory_space<hbm>> -> memref<16384xf32, #tpu.memory_space<hbm>>
      tpu.wait_dma2 semaphore(%run_scoped3A : memref<!tpu.dma_semaphore, #tpu.memory_space<semaphore_mem>>) src(%arg5 : memref<16384xf32, #tpu.memory_space<vmem>>) dst(%dma_wait3A_20 : memref<16384xf32, #tpu.memory_space<hbm>>)
      tpu.yield
    }) : () -> ()
    return
  }
}

module attributes {stable_mosaic.version = 14 : i64} {
  func.func @_tc_body(%arg0: i32, %arg1: memref<1x1024x1024xf32, #tpu.memory_space<vmem>>, %arg2: memref<1x1024x1024xf32, #tpu.memory_space<vmem>>, %arg3: memref<64x128xf32, #tpu.memory_space<vmem>>, %arg4: memref<128x1024xf32, #tpu.memory_space<vmem>>, %arg5: memref<128x1024xf32, #tpu.memory_space<vmem>>, %arg6: memref<1024x128xf32, #tpu.memory_space<vmem>>, %arg7: memref<1x64x1024xf32, #tpu.memory_space<vmem>>, %arg8: memref<1x1x2048xi32, #tpu.memory_space<vmem>>) attributes {dimension_semantics = [#tpu.dimension_semantics<arbitrary>], iteration_bounds = array<i64: 4>, scalar_prefetch = 0 : i64, scratch_operands = 0 : i64, tpu.core_type = #tpu.core_type<tc>, window_params = [{transform_indices = @transform_0, window_bounds = array<i64: 1, 1024, 1024>}, {transform_indices = @transform_1, window_bounds = array<i64: 1, 1024, 1024>}, {pipeline_mode = #tpu.pipeline_mode<synchronous>, transform_indices = @transform_2, window_bounds = array<i64: 64, 128>}, {pipeline_mode = #tpu.pipeline_mode<synchronous>, transform_indices = @transform_3, window_bounds = array<i64: 128, 1024>}, {pipeline_mode = #tpu.pipeline_mode<synchronous>, transform_indices = @transform_4, window_bounds = array<i64: 128, 1024>}, {pipeline_mode = #tpu.pipeline_mode<synchronous>, transform_indices = @transform_5, window_bounds = array<i64: 1024, 128>}, {transform_indices = @transform_6, window_bounds = array<i64: 1, 64, 1024>}, {transform_indices = @transform_7, window_bounds = array<i64: 1, 1, 2048>}]} {
    %get3A = arith.constant 0 : index
    %get3A_0 = arith.constant 0 : index
    %get3A_1 = arith.constant 0 : index
    %get3A_2 = vector.load %arg1[%get3A, %get3A_0, %get3A_1] : memref<1x1024x1024xf32, #tpu.memory_space<vmem>>, vector<1x1024x1024xf32>
    %get3A_3 = vector.shape_cast %get3A_2 : vector<1x1024x1024xf32> to vector<1024x1024xf32>
    %get3A_4 = arith.constant 0 : index
    %get3A_5 = arith.constant 0 : index
    %get3A_6 = vector.load %arg4[%get3A_4, %get3A_5] : memref<128x1024xf32, #tpu.memory_space<vmem>>, vector<128x1024xf32>
    %dot_general3A = arith.constant dense<0.000000e+00> : vector<1024x128xf32>
    %dot_general3A_7 = tpu.matmul %get3A_3, %get3A_6, %dot_general3A {dimension_numbers = #tpu.dot_dimension_numbers<[1], [1], [0], [0], [0, 0, 1, 0], [], []>, transpose_lhs_hint = false} : vector<1024x1024xf32>, vector<128x1024xf32>, vector<1024x128xf32> -> vector<1024x128xf32>
    %get3A_8 = arith.constant 0 : index
    %get3A_9 = arith.constant 0 : index
    %get3A_10 = vector.load %arg3[%get3A_8, %get3A_9] : memref<64x128xf32, #tpu.memory_space<vmem>>, vector<64x128xf32>
    %dot_general3A_11 = arith.constant dense<0.000000e+00> : vector<1024x64xf32>
    %dot_general3A_12 = tpu.matmul %dot_general3A_7, %get3A_10, %dot_general3A_11 {dimension_numbers = #tpu.dot_dimension_numbers<[1], [1], [0], [0], [0, 0, 1, 0], [], []>, transpose_lhs_hint = false} : vector<1024x128xf32>, vector<64x128xf32>, vector<1024x64xf32> -> vector<1024x64xf32>
    %mul3A = arith.constant 1.250000e-01 : f32
    %mul3A_13 = vector.broadcast %mul3A : f32 to vector<1024x64xf32>
    %mul3A_14 = arith.mulf %dot_general3A_12, %mul3A_13 : vector<1024x64xf32>
    %reduce_max3A = arith.constant dense<0xFF800000> : vector<1024xf32>
    %reduce_max3A_15 = vector.multi_reduction <maximumf>, %mul3A_14, %reduce_max3A [1] : vector<1024x64xf32> to vector<1024xf32>
    %broadcast_in_dim3A = vector.shape_cast %reduce_max3A_15 : vector<1024xf32> to vector<1024x1xf32>
    %iota3A = tpu.iota {dimensions = array<i32: 1>} : vector<1024x64xi32>
    %eq3A = vector.broadcast %broadcast_in_dim3A : vector<1024x1xf32> to vector<1024x64xf32>
    %eq3A_16 = arith.cmpf oeq, %mul3A_14, %eq3A : vector<1024x64xf32>
    %jit3A = arith.constant 64 : i32
    %broadcast_in_dim3A_17 = vector.broadcast %jit3A : i32 to vector<1024x64xi32>
    %select_n3A = arith.select %eq3A_16, %iota3A, %broadcast_in_dim3A_17 : vector<1024x64xi1>, vector<1024x64xi32>
    %reduce_min3A = arith.constant dense<2147483647> : vector<1024xi32>
    %reduce_min3A_18 = vector.multi_reduction <minsi>, %select_n3A, %reduce_min3A [1] : vector<1024x64xi32> to vector<1024xi32>
    %broadcast_in_dim3A_19 = vector.shape_cast %reduce_min3A_18 : vector<1024xi32> to vector<1024x1xi32>
    %eq3A_20 = vector.broadcast %broadcast_in_dim3A_19 : vector<1024x1xi32> to vector<1024x64xi32>
    %eq3A_21 = arith.cmpi eq, %iota3A, %eq3A_20 : vector<1024x64xi32>
    %convert_element_type3A = arith.extui %eq3A_21 : vector<1024x64xi1> to vector<1024x64xi32>
    %convert_element_type3A_22 = arith.sitofp %convert_element_type3A : vector<1024x64xi32> to vector<1024x64xf32>
    %dot_general3A_23 = arith.constant dense<0.000000e+00> : vector<64x1024xf32>
    %dot_general3A_24 = tpu.matmul %convert_element_type3A_22, %get3A_3, %dot_general3A_23 {dimension_numbers = #tpu.dot_dimension_numbers<[0], [0], [1], [1], [0, 1, 1, 1], [], []>, transpose_lhs_hint = false} : vector<1024x64xf32>, vector<1024x1024xf32>, vector<64x1024xf32> -> vector<64x1024xf32>
    %get3A_25 = arith.constant 0 : index
    %get3A_26 = arith.constant 0 : index
    %get3A_27 = arith.constant 0 : index
    %get3A_28 = vector.load %arg2[%get3A_25, %get3A_26, %get3A_27] : memref<1x1024x1024xf32, #tpu.memory_space<vmem>>, vector<1x1024x1024xf32>
    %get3A_29 = vector.shape_cast %get3A_28 : vector<1x1024x1024xf32> to vector<1024x1024xf32>
    %get3A_30 = arith.constant 0 : index
    %get3A_31 = arith.constant 0 : index
    %get3A_32 = vector.load %arg4[%get3A_30, %get3A_31] : memref<128x1024xf32, #tpu.memory_space<vmem>>, vector<128x1024xf32>
    %dot_general3A_33 = arith.constant dense<0.000000e+00> : vector<1024x128xf32>
    %dot_general3A_34 = tpu.matmul %get3A_29, %get3A_32, %dot_general3A_33 {dimension_numbers = #tpu.dot_dimension_numbers<[1], [1], [0], [0], [0, 0, 1, 0], [], []>, transpose_lhs_hint = false} : vector<1024x1024xf32>, vector<128x1024xf32>, vector<1024x128xf32> -> vector<1024x128xf32>
    %get3A_35 = arith.constant 0 : index
    %get3A_36 = arith.constant 0 : index
    %get3A_37 = vector.load %arg3[%get3A_35, %get3A_36] : memref<64x128xf32, #tpu.memory_space<vmem>>, vector<64x128xf32>
    %dot_general3A_38 = arith.constant dense<0.000000e+00> : vector<1024x64xf32>
    %dot_general3A_39 = tpu.matmul %dot_general3A_34, %get3A_37, %dot_general3A_38 {dimension_numbers = #tpu.dot_dimension_numbers<[1], [1], [0], [0], [0, 0, 1, 0], [], []>, transpose_lhs_hint = false} : vector<1024x128xf32>, vector<64x128xf32>, vector<1024x64xf32> -> vector<1024x64xf32>
    %mul3A_40 = arith.constant 1.250000e-01 : f32
    %mul3A_41 = vector.broadcast %mul3A_40 : f32 to vector<1024x64xf32>
    %mul3A_42 = arith.mulf %dot_general3A_39, %mul3A_41 : vector<1024x64xf32>
    %reduce_max3A_43 = arith.constant dense<0xFF800000> : vector<1024xf32>
    %reduce_max3A_44 = vector.multi_reduction <maximumf>, %mul3A_42, %reduce_max3A_43 [1] : vector<1024x64xf32> to vector<1024xf32>
    %broadcast_in_dim3A_45 = vector.shape_cast %reduce_max3A_44 : vector<1024xf32> to vector<1024x1xf32>
    %iota3A_46 = tpu.iota {dimensions = array<i32: 1>} : vector<1024x64xi32>
    %eq3A_47 = vector.broadcast %broadcast_in_dim3A_45 : vector<1024x1xf32> to vector<1024x64xf32>
    %eq3A_48 = arith.cmpf oeq, %mul3A_42, %eq3A_47 : vector<1024x64xf32>
    %jit3A_49 = arith.constant 64 : i32
    %broadcast_in_dim3A_50 = vector.broadcast %jit3A_49 : i32 to vector<1024x64xi32>
    %select_n3A_51 = arith.select %eq3A_48, %iota3A_46, %broadcast_in_dim3A_50 : vector<1024x64xi1>, vector<1024x64xi32>
    %reduce_min3A_52 = arith.constant dense<2147483647> : vector<1024xi32>
    %reduce_min3A_53 = vector.multi_reduction <minsi>, %select_n3A_51, %reduce_min3A_52 [1] : vector<1024x64xi32> to vector<1024xi32>
    %broadcast_in_dim3A_54 = vector.shape_cast %reduce_min3A_53 : vector<1024xi32> to vector<1024x1xi32>
    %eq3A_55 = vector.broadcast %broadcast_in_dim3A_54 : vector<1024x1xi32> to vector<1024x64xi32>
    %eq3A_56 = arith.cmpi eq, %iota3A_46, %eq3A_55 : vector<1024x64xi32>
    %convert_element_type3A_57 = arith.extui %eq3A_56 : vector<1024x64xi1> to vector<1024x64xi32>
    %convert_element_type3A_58 = arith.sitofp %convert_element_type3A_57 : vector<1024x64xi32> to vector<1024x64xf32>
    %dot_general3A_59 = arith.constant dense<0.000000e+00> : vector<64x1024xf32>
    %dot_general3A_60 = tpu.matmul %convert_element_type3A_58, %get3A_29, %dot_general3A_59 {dimension_numbers = #tpu.dot_dimension_numbers<[0], [0], [1], [1], [0, 1, 1, 1], [], []>, transpose_lhs_hint = false} : vector<1024x64xf32>, vector<1024x1024xf32>, vector<64x1024xf32> -> vector<64x1024xf32>
    %reshape3A = vector.shape_cast %broadcast_in_dim3A_19 : vector<1024x1xi32> to vector<1x1024xi32>
    %squeeze3A = vector.shape_cast %reshape3A : vector<1x1024xi32> to vector<1024xi32>
    %swap3A = arith.constant 0 : index
    %swap3A_61 = arith.constant 0 : index
    %swap3A_62 = arith.constant 0 : index
    %swap3A_63 = vector.load %arg8[%swap3A, %swap3A_61, %swap3A_62] : memref<1x1x2048xi32, #tpu.memory_space<vmem>>, vector<1x1x1024xi32>
    %swap3A_64 = vector.shape_cast %swap3A_63 : vector<1x1x1024xi32> to vector<1024xi32>
    %swap3A_65 = vector.shape_cast %squeeze3A : vector<1024xi32> to vector<1x1x1024xi32>
    tpu.vector_store %arg8[%swap3A, %swap3A_61, %swap3A_62], %swap3A_65 {strides = array<i32>} : memref<1x1x2048xi32, #tpu.memory_space<vmem>>, vector<1x1x1024xi32>,
    %reshape3A_66 = vector.shape_cast %broadcast_in_dim3A_54 : vector<1024x1xi32> to vector<1x1024xi32>
    %squeeze3A_67 = vector.shape_cast %reshape3A_66 : vector<1x1024xi32> to vector<1024xi32>
    %swap3A_68 = arith.constant 0 : index
    %swap3A_69 = arith.constant 0 : index
    %swap3A_70 = arith.constant 1024 : index
    %swap3A_71 = vector.load %arg8[%swap3A_68, %swap3A_69, %swap3A_70] : memref<1x1x2048xi32, #tpu.memory_space<vmem>>, vector<1x1x1024xi32>
    %swap3A_72 = vector.shape_cast %swap3A_71 : vector<1x1x1024xi32> to vector<1024xi32>
    %swap3A_73 = vector.shape_cast %squeeze3A_67 : vector<1024xi32> to vector<1x1x1024xi32>
    tpu.vector_store %arg8[%swap3A_68, %swap3A_69, %swap3A_70], %swap3A_73 {strides = array<i32>} : memref<1x1x2048xi32, #tpu.memory_space<vmem>>, vector<1x1x1024xi32>,
    %add3A = arith.addf %dot_general3A_24, %dot_general3A_60 : vector<64x1024xf32>
    %get3A_74 = arith.constant 0 : index
    %get3A_75 = arith.constant 0 : index
    %get3A_76 = vector.load %arg5[%get3A_74, %get3A_75] : memref<128x1024xf32, #tpu.memory_space<vmem>>, vector<128x1024xf32>
    %dot_general3A_77 = arith.constant dense<0.000000e+00> : vector<64x128xf32>
    %dot_general3A_78 = tpu.matmul %add3A, %get3A_76, %dot_general3A_77 {dimension_numbers = #tpu.dot_dimension_numbers<[1], [1], [0], [0], [0, 0, 1, 0], [], []>, transpose_lhs_hint = false} : vector<64x1024xf32>, vector<128x1024xf32>, vector<64x128xf32> -> vector<64x128xf32>
    %get3A_79 = arith.constant 0 : index
    %get3A_80 = arith.constant 0 : index
    %get3A_81 = vector.load %arg6[%get3A_79, %get3A_80] : memref<1024x128xf32, #tpu.memory_space<vmem>>, vector<1024x128xf32>
    %dot_general3A_82 = arith.constant dense<0.000000e+00> : vector<64x1024xf32>
    %dot_general3A_83 = tpu.matmul %dot_general3A_78, %get3A_81, %dot_general3A_82 {dimension_numbers = #tpu.dot_dimension_numbers<[1], [1], [0], [0], [0, 0, 1, 0], [], []>, transpose_lhs_hint = false} : vector<64x128xf32>, vector<1024x128xf32>, vector<64x1024xf32> -> vector<64x1024xf32>
    %swap3A_84 = arith.constant 0 : index
    %swap3A_85 = arith.constant 0 : index
    %swap3A_86 = arith.constant 0 : index
    %swap3A_87 = vector.load %arg7[%swap3A_84, %swap3A_85, %swap3A_86] : memref<1x64x1024xf32, #tpu.memory_space<vmem>>, vector<1x64x1024xf32>
    %swap3A_88 = vector.shape_cast %swap3A_87 : vector<1x64x1024xf32> to vector<64x1024xf32>
    %swap3A_89 = vector.shape_cast %dot_general3A_83 : vector<64x1024xf32> to vector<1x64x1024xf32>
    tpu.vector_store %arg7[%swap3A_84, %swap3A_85, %swap3A_86], %swap3A_89 {strides = array<i32>} : memref<1x64x1024xf32, #tpu.memory_space<vmem>>, vector<1x64x1024xf32>,
    return
  }
  func.func @transform_0(%arg0: i32) -> (i32, i32, i32) {
    %c0_i32 = arith.constant 0 : i32
    %c0_i32_0 = arith.constant 0 : i32
    %c0_i32_1 = arith.constant 0 : i32
    return %arg0, %c0_i32, %c0_i32_0 : i32, i32, i32
  }
  func.func @transform_1(%arg0: i32) -> (i32, i32, i32) {
    %c1_i32 = arith.constant 1 : i32
    %c0_i32 = arith.constant 0 : i32
    %c0_i32_0 = arith.constant 0 : i32
    return %arg0, %c1_i32, %c0_i32 : i32, i32, i32
  }
  func.func @transform_2(%arg0: i32) -> (i32, i32) {
    %c0_i32 = arith.constant 0 : i32
    %c0_i32_0 = arith.constant 0 : i32
    %c0_i32_1 = arith.constant 0 : i32
    return %c0_i32, %c0_i32_0 : i32, i32
  }
  func.func @transform_3(%arg0: i32) -> (i32, i32) {
    %c0_i32 = arith.constant 0 : i32
    %c0_i32_0 = arith.constant 0 : i32
    %c0_i32_1 = arith.constant 0 : i32
    return %c0_i32, %c0_i32_0 : i32, i32
  }
  func.func @transform_4(%arg0: i32) -> (i32, i32) {
    %c0_i32 = arith.constant 0 : i32
    %c0_i32_0 = arith.constant 0 : i32
    %c0_i32_1 = arith.constant 0 : i32
    return %c0_i32, %c0_i32_0 : i32, i32
  }
  func.func @transform_5(%arg0: i32) -> (i32, i32) {
    %c0_i32 = arith.constant 0 : i32
    %c0_i32_0 = arith.constant 0 : i32
    %c0_i32_1 = arith.constant 0 : i32
    return %c0_i32, %c0_i32_0 : i32, i32
  }
  func.func @transform_6(%arg0: i32) -> (i32, i32, i32) {
    %c0_i32 = arith.constant 0 : i32
    %c0_i32_0 = arith.constant 0 : i32
    %c0_i32_1 = arith.constant 0 : i32
    return %arg0, %c0_i32, %c0_i32_0 : i32, i32, i32
  }
  func.func @transform_7(%arg0: i32) -> (i32, i32, i32) {
    %c0_i32 = arith.constant 0 : i32
    %c0_i32_0 = arith.constant 0 : i32
    %c0_i32_1 = arith.constant 0 : i32
    return %arg0, %c0_i32, %c0_i32_0 : i32, i32, i32
  }
}

</mosaic_0001>

<sc_bundles>
// kernel: kernel.4.cloned.1.call-start
scs
__scs_entry_jumppad:
0x0: {  	(pc) =	sbr.rel $0x88, $3  }
0x1: {  	(tag) =	ssettag $0x0;
	lr =	simm.s32 $0x1  }
0x2: {  	[smem:$0x3F9C] =	sst lr;
	_ =	strace $0xD0000000  }
0x3: {  	_ = 	snop  }
0x4: {  	_ = 	snop  }
0x5: {  	_ = 	snop  }
0x6: {  	_ = 	snop  }
0x7: {  	_ = 	snop  }
__scs_overlays_trampoline_lowered:
0x8: {  	[smem:$0x3FAB] =	sst s0  }
0x9: {  	[smem:$0x3FAC] =	sst s1  }
0xa: {  	[smem:$0x3FAD] =	sst s2  }
0xb: {  	[smem:$0x3FAE] =	sst s3  }
0xc: {  	[smem:$0x3FAF] =	sst s4  }
0xd: {  	[smem:$0x3FB0] =	sst s5  }
0xe: {  	[smem:$0x3FB1] =	sst s6  }
0xf: {  	[smem:$0x3FB2] =	sst s7  }
0x10: {  	[smem:$0x3FB3] =	sst s8  }
0x11: {  	[smem:$0x3FB4] =	sst s9;
	s0 =	simm.s32 @!p0 $0x0  }
0x12: {  	s1 =	sld [smem:$0x3F9A];
	s0 =	simm.s32 @p0 $0x1  }
0x13: {  	[smem:$0x3FB5] =	sst s0;
	s0 =	simm.s32 @!p1 $0x0  }
0x14: {  	s2 =	sld [smem:$0x3F99];
	s0 =	simm.s32 @p1 $0x1  }
0x15: {  	[smem:$0x3FB6] =	sst s0;
	s0 =	simm.s32 @!p2 $0x0  }
0x16: {  	s3 =	sld [smem:$0x3FDB];
	s0 =	simm.s32 @p2 $0x1  }
0x17: {  	s4 =	simm.s32 $0x1BF5;
	[smem:$0x3FB8] =	sst s0  }
0x18: {  	s0 =	sld [smem:$0x3F9B];
	_ =	swait.ge [sflag:s4], $0x0  }
0x19: {  	s7 =	sld [smem:$0x3F9C]  }
0x1a: {  	s8 =	sadd.s32 $0xFFFFE003, lr  }
0x1b: {  	s9 =	sadd.s32 $0xFFFFFEF7, lr;
	s5 =	simm.s32 $0xFFFFFFFF;
	p2 =	slt.u32 s8, $0xFFFFF086  }
0x1c: {  	p1 =	slt.u32 s9, $0xF7A;
	s5 =	simm.s32 @!p2 $0x0  }
0x1d: {  	s5 =	simm.s32 @p1 $0x1;
	p0 =	seq.s32 s7, s2  }
0x1e: {  	s7 =	smul.u32 @!p0 $0xF7A, s2;
	p2 =	seq.s32 @!p0 s5, $0x0  }
0x1f: {  	s9 =	smul.u32 $0xF7A, s1;
	s8 =	simm.s32 @!p0 $0x1BF5;
	p2 =	por !p2, p0  }
0x20: {  	[sflag:s8] =	ssyncset.s32 @!p0 $0xFFFFF086;
	s6 =	sadd.s32 @!p0 s3, s7;
	s7 =	simm.s32 @!p0 $0x108  }
0x21: {  	s3 =	sadd.s32 s3, s9;
	s6 =	sadd.s32 @!p0 $0x88, s6;
	s7 =	simm.s32 @p2 $0x1082  }
0x22: {  	[simem:s7], [sflag:s8] =	dma.local @!p0 [hbm:s6], $0xF7A  }
0x23: {  	s9 =	sor.u32 $0xD0000000, s2;
	s6 =	simm.s32 $0x108;
	_ =	swait.ge @!p0 [sflag:s8], $0x0  }
0x24: {  	s3 =	sadd.s32 $0x88, s3;
	s6 =	simm.s32 @!p1 $0x1082;
	[sflag:s4] =	ssyncset.s32 $0xFFFFF086  }
0x25: {  	[simem:s6], [sflag:s4] =	dma.local [hbm:s3], $0xF7A  }
0x26: {  	[smem:$0x3F9C] =	sst s1;
	(tag) =	ssettag s2;
	_ =	strace s9  }
0x27: {  	s1 =	sld [smem:$0x3FAC]  }
0x28: {  	s2 =	sld [smem:$0x3FAD]  }
0x29: {  	s4 =	sld [smem:$0x3FAF]  }
0x2a: {  	p0 =	seq.s32 s5, $0x0;
	s5 =	sld [smem:$0x3FB0]  }
0x2b: {  	s6 =	sld [smem:$0x3FB1]  }
0x2c: {  	s7 =	sld [smem:$0x3FB2]  }
0x2d: {  	s3 =	simm.s32 $0x108;
	s8 =	sld [smem:$0x3FB3]  }
0x2e: {  	s3 =	simm.s32 @!p0 $0x1082;
	s9 =	sld [smem:$0x3FB4]  }
0x2f: {  	lr =	sadd.s32 s0, s3;
	s0 =	sld [smem:$0x3FAB]  }
0x30: {  	s3 =	sld [smem:$0x3FAE]  }
0x31: {  	[smem:$0x3FB7] =	sst s10  }
0x32: {  	s10 =	sld [smem:$0x3FB5];
	_ =	sdelay $0x3  }
0x33: {  	p0 =	seq.s32 s10, $0x1;
	s10 =	sld [smem:$0x3FB7];
	_ =	sdelay $0x3  }
0x34: {  	[smem:$0x3FB7] =	sst s10  }
0x35: {  	s10 =	sld [smem:$0x3FB6];
	_ =	sdelay $0x3  }
0x36: {  	p1 =	seq.s32 s10, $0x1;
	s10 =	sld [smem:$0x3FB7];
	_ =	sdelay $0x3  }
0x37: {  	[smem:$0x3FB7] =	sst s10  }
0x38: {  	s10 =	sld [smem:$0x3FB8]  }
0x39: {  	_ = 	snop;
	(pc) =	sbr.ind lr, $3  }
0x3a: {  	_ = 	snop  }
0x3b: {  	_ = 	snop  }
0x3c: {  	p2 =	seq.s32 s10, $0x1;
	s10 =	sld [smem:$0x3FB7]  }
0x3d: {  	_ =	shalt  }
0x3e: {  	_ =	shalt  }
0x3f: {  	_ =	shalt  }
0x40: {  	_ =	shalt  }
0x41: {  	_ =	shalt  }
0x42: {  	_ =	shalt  }
0x43: {  	_ =	shalt  }
0x44: {  	_ =	shalt  }
0x45: {  	_ =	shalt  }
0x46: {  	_ =	shalt  }
0x47: {  	_ =	shalt  }
0x48: {  	_ =	shalt  }
0x49: {  	_ =	shalt  }
0x4a: {  	_ =	shalt  }
0x4b: {  	_ =	shalt  }
0x4c: {  	_ =	shalt  }
0x4d: {  	_ =	shalt  }
0x4e: {  	_ =	shalt  }
0x4f: {  	_ =	shalt  }
0x50: {  	_ =	shalt  }
0x51: {  	_ =	shalt  }
0x52: {  	_ =	shalt  }
0x53: {  	_ =	shalt  }
0x54: {  	_ =	shalt  }
0x55: {  	_ =	shalt  }
0x56: {  	_ =	shalt  }
0x57: {  	_ =	shalt  }
0x58: {  	_ =	shalt  }
0x59: {  	_ =	shalt  }
0x5a: {  	_ =	shalt  }
0x5b: {  	_ =	shalt  }
0x5c: {  	_ =	shalt  }
0x5d: {  	_ =	shalt  }
0x5e: {  	_ =	shalt  }
0x5f: {  	_ =	shalt  }
0x60: {  	_ =	shalt  }
0x61: {  	_ =	shalt  }
0x62: {  	_ =	shalt  }
0x63: {  	_ =	shalt  }
0x64: {  	_ =	shalt  }
0x65: {  	_ =	shalt  }
0x66: {  	_ =	shalt  }
0x67: {  	_ =	shalt  }
0x68: {  	_ =	shalt  }
0x69: {  	_ =	shalt  }
0x6a: {  	_ =	shalt  }
0x6b: {  	_ =	shalt  }
0x6c: {  	_ =	shalt  }
0x6d: {  	_ =	shalt  }
0x6e: {  	_ =	shalt  }
0x6f: {  	_ =	shalt  }
0x70: {  	_ =	shalt  }
0x71: {  	_ =	shalt  }
0x72: {  	_ =	shalt  }
0x73: {  	_ =	shalt  }
0x74: {  	_ =	shalt  }
0x75: {  	_ =	shalt  }
0x76: {  	_ =	shalt  }
0x77: {  	_ =	shalt  }
0x78: {  	_ =	shalt  }
0x79: {  	_ =	shalt  }
0x7a: {  	_ =	shalt  }
0x7b: {  	_ =	shalt  }
0x7c: {  	_ =	shalt  }
0x7d: {  	_ =	shalt  }
0x7e: {  	_ =	shalt  }
0x7f: {  	_ =	shalt  }
0x80: {  	_ =	shalt  }
0x81: {  	_ =	shalt  }
0x82: {  	_ =	shalt  }
0x83: {  	_ =	shalt  }
0x84: {  	_ =	shalt  }
0x85: {  	_ =	shalt  }
0x86: {  	_ =	shalt  }
0x87: {  	_ =	shalt  }
.Lfunc_end0:
.L_simem_size_0:
called_computation_lowered:
.L_overlay_start_0:
0x88: {  	s2 =	sld [smem:$0x3FD9]  }
0x89: {  	s3 =	sld [smem:$0x3FFE];
	_ =	sdelay $0x1  }
0x8a: {  	s1 =	srdreg.scid  }
0x8b: {  	s0 =	sand.u32 $0x1, s1  }
0x8c: {  	s14 =	sshll.u32 s0, $0xA;
	s2 =	sadd.s32 s3, s2  }
0x8d: {  	s2 =	sadd.s32 s2, s14  }
0x8e: {  	[smem:$0x3FC3] =	sst s2  }
0x8f: {  	_ = 	snop  }
0x90: {  	s2 =	sld [smem:$0x3FD0];
	_ =	sdelay $0x2  }
0x91: {  	s15 =	simm.s32 $0xA;
	s4 =	simm.s32 $0x10  }
0x92: {  	[smem:s4], [sflag:s15] =	dma.local [hbm:s2], $0x1  }
0x93: {  	_ =	swait.eq [sflag:s15], $0x1  }
0x94: {  	[sflag:s15] =	ssyncset.done $0x0  }
0x95: {  	[sflag:s15] =	ssyncadd.s32 $0xFFFFFFFF  }
0x96: {  	s16 =	sld [smem:$0x11];
	(tm) =	ssettm $0x1  }
0x97: {  	s17 =	sld [smem:$0x3FFB];
	_ =	sdelay $0x3  }
0x98: {  	_ =	strace s17  }
0x99: {  	s3 =	sld [smem:$0x3FFC];
	_ =	sdelay $0x3  }
0x9a: {  	_ =	strace s3  }
0x9b: {  	s3 =	sld [smem:$0x3FFD];
	_ =	sdelay $0x3  }
0x9c: {  	_ =	strace s3  }
0x9d: {  	_ =	strace $0x8FFFFFFF  }
0x9e: {  	s18 =	sld [smem:$0x3FDB];
	_ =	sdelay $0x1  }
0x9f: {  	s19 =	simm.s32 $_scs_section_size  }
0xa0: {  	s5 =	simm.s32 $_size__tile_overlayer_lowered;
	s6 =	simm.s32 $_tile_overlayer_lowered  }
0xa1: {  	s22 =	simm.s32 $0x1BFF;
	s21 =	sshll.u32 s6, $0x1;
	s3 =	sadd.s32 s19, s18  }
0xa2: {  	s7 =	simm.s32 $0x0;
	s20 =	sshll.u32 s5, $0x1;
	s5 =	sadd.s32 s21, s3  }
0xa3: {  	[timem:s7], [sflag:s22] =	dma.local [hbm:s5], s20  }
0xa4: {  	_ =	swait.ge [sflag:s22], s20  }
0xa5: {  	s4 =	ssub.s32 $0x0, s20;
	[sflag:s22] =	ssyncset.done $0x0  }
0xa6: {  	[sflag:s22] =	ssyncadd.s32 s4;
	_ =	sdelay $0x1  }
0xa7: {  	s23 =	simm.s32 $0x1B8B  }
0xa8: {  	_ =	swait.ge [sflag:s23], $0x1  }
0xa9: {  	[sflag:s23] =	ssyncset.done $0x0  }
0xaa: {  	s25 =	simm.s32 $0x1B8E;
	s24 =	sld [smem:$0x3FFE];
	[sflag:s23] =	ssyncadd.s32 $0xFFFFFFFF  }
0xab: {  	s26 =	simm.s32 $execute0_lowered;
	[smem:$0x3FD2] =	sst s25  }
0xac: {  	s5 =	sshll.u32 s26, $0x1;
	_ =	strace $0x80000046;
	[dreg:$0x1] =	wrdreg $0xFFFFFFFF  }
0xad: {  	s28 =	simm.s32 $_size_execute0_lowered;
	s3 =	sadd.s32 s3, s5;
	[dreg:$0x0] =	wrdreg $0x0  }
0xae: {  	s5 =	sshll.u32 s28, $0x1;
	[dreg:$0x2] =	wrdreg s3  }
0xaf: {  	[dreg:$0x3] =	wrdreg s5  }
0xb0: {  	[dreg:$0x4] =	wrdreg $0xC0  }
0xb1: {  	_ =	task [dreg:s7], $0x5FFFF  }
0xb2: {  	[dreg:$0x1] =	wrdreg $0xFFFFFFFF  }
0xb3: {  	[dreg:$0x0] =	wrdreg $0x60  }
0xb4: {  	[dreg:$0x2] =	wrdreg s24  }
0xb5: {  	[dreg:$0x3] =	wrdreg s16  }
0xb6: {  	[dreg:$0x4] =	wrdreg $0x9  }
0xb7: {  	_ =	task.clear_ibuf [dreg:s7], $0x5FFFF;
	_ =	strace $0x90000046  }
0xb8: {  	s29 =	simm.s32 $0x9;
	_ =	strace $0x80000048  }
0xb9: {  	_ =	swait.ge [sflag:s29], $0x1  }
0xba: {  	[sflag:s29] =	ssyncadd.s32 $0xFFFFFFFF  }
0xbb: {  	_ =	strace $0x90000048  }
0xbc: {  	_ =	sfence  }
0xbd: {  	s30 =	sld [smem:$0x0];
	_ =	sdelay $0x2  }
0xbe: {  	s31 =	sshll.u32 s1, $0xD;
	s1 =	sshrl.u32 s1, $0x2  }
0xbf: {  	s3 =	sand.u32 $0x4000, s31;
	s1 =	sadd.s32 s1, s30  }
0xc0: {  	s0 =	sor.u32 s3, s0;
	s1 =	sshll.u32 s1, $0x11  }
0xc1: {  	s0 =	sor.u32 s1, s0  }
0xc2: {  	s0 =	sadd.s32 $0x8F2B, s0  }
0xc3: {  	[sflag:s0] =	ssyncadd.remote.s32 $0x1  }
0xc4: {  	_ =	sfence.sel $0xFFFF  }
0xc5: {  	[dreg:$0x0] =	wrdreg $0xFFFFFFFF;
	(pc) =	sbr.abs _section_cstart, $3  }
0xc6: {  	[dreg:$0x1] =	wrdreg $0xFFFFFFFF  }
0xc7: {  	_ =	task.clear_ibuf [dreg:s7], $0x2FFFF;
	_ =	strace $0x9FFFFFFF  }
0xc8: {  	(tm) =	ssettm $0x7FFFFFFF  }
0xc9: {  	_ =	shalt  }
tec
execute0_lowered:
.L_overlay_start_1:
0x0: {  	(tag) =	ssettag $0x1  }
0x1: {  	s3 =	rddreg [dreg:$0x0]  }
0x2: {  	s4 =	rddreg [dreg:$0x1]  }
0x3: {  	s0 =	rddreg [dreg:$0x2]  }
0x4: {  	s5 =	srdreg.scid;
	s1 =	stileid.u32  }
0x5: {  	s2 =	simm.s32 $0x0;
	s5 =	sand.u32 $0x1, s5;
	s6 =	sshll.u32 s1, $0x1  }
0x6: {  	[smem:$0x7FF] =	sst s2;
	s6 =	sor.u32 s5, s6;
	s5 =	ssub.s32 $0x2, s5  }
0x7: {  	_ =	strace $0x80000047;
	s7 =	sshll.u32 s6, $0x5;
	s8 =	sshrl.u32 s5, $0x1  }
0x8: {  	s6 =	sshll.u32 s6, $0xB;
	s3 =	sadd.s32 s7, s3;
	s5 =	ssub.s32 s5, s8  }
0x9: {  	v1 =	vlaneseq.u32;
	s4 =	sadd.s32 s4, s6;
	s6 =	simm.s32 $0x1;
	s7 =	simm.s32 $0x100  }
0xa: {  	v0 =	vimm.f32 $0.0e+00;
	v2 =	vimm.f32 $1.000000000e+00;
	v1 =	vmul.u32 $0x40, v1;
	s8 =	simm.s32 $0x0;
	s3 =	sadd.s32 $0x1000, s3;
	s5 =	smax.u32 s5, $0x1  }
.LBB2_1:
0xb: {  	[tilespmem:s2], [sflag:$0x1] =	stream.linear.gather [hbm4b:s3+s2], $0x100, $0x38;
	[tilespmem:$0x4100] =	vst v63  }
0xc: {  	_ =	swait.ge [sflag:s6], $0x100  }
0xd: {  	[sflag:s6] =	ssyncset.done $0x0  }
0xe: {  	s12 =	simm.s32 $0x140;
	[sflag:s6] =	ssyncadd.s32 $0xFFFFFF00  }
0xf: {  	[tilespmem:s12+$0xFFFFFFC0] =	vst v0  }
0x10: {  	[tilespmem:s12+$0x30] =	vst v0  }
0x11: {  	[tilespmem:s12+$0x20] =	vst v0  }
0x12: {  	[tilespmem:s12+$0x10] =	vst v0  }
0x13: {  	[tilespmem:s12+$0x0] =	vst v0  }
0x14: {  	[tilespmem:s12+$0xFFFFFFF0] =	vst v0  }
0x15: {  	s13 =	simm.s32 $0x0;
	s9 =	simm.s32 $0x20;
	[tilespmem:s12+$0xFFFFFFE0] =	vst v0  }
.LBB2_2:
0x16: {  	s13 =	sadd.s32 $0x8, s13;
	[tilespmem:s12+$0xFFFFFFD0] =	vst v0;
	s12 =	sadd.s32 $0x80, s12;
	s10 =	simm.s32 $0xFFFFFFFC  }
0x17: {  	[tilespmem:s12+$0xFFFFFFC0] =	vst v0;
	p0 =	slt.u32 s13, $0x3F8  }
0x18: {  	[tilespmem:s12+$0x30] =	vst v0  }
.Ltmp0:
0x19: {  	[tilespmem:s12+$0x20] =	vst v0;
	(pc) =	sbr.rel @p0 .LBB2_2-.Ltmp0, $4  }
0x1a: {  	[tilespmem:s12+$0x10] =	vst v0  }
0x1b: {  	[tilespmem:s12+$0x0] =	vst v0  }
0x1c: {  	[tilespmem:s12+$0xFFFFFFF0] =	vst v0  }
0x1d: {  	s11 =	simm.s32 $0x0;
	[tilespmem:s12+$0xFFFFFFE0] =	vst v0  }
0x1e: {  	[tilespmem:s12+$0xFFFFFFD0] =	vst v0  }
.LBB2_4:
0x1f: {  	v3 =	vld [tilespmem:s9+$0xFFFFFFE0];
	_ =	sdelay $0x1  }
0x20: {  	v4 =	vmov s11  }
0x21: {  	v4 =	vshll.u32 v4, $0x6  }
0x22: {  	v4 =	vor.u32 v1, v4  }
0x23: {  	v3 =	vadd.s32 v4, v3;
	_ =	sdelay $0x4  }
0x24: {  	[tilespmem:v3+s7+$0x0] =	vst.idx.msk $0xffff, v2  }
0x25: {  	v3 =	vld [tilespmem:s9+$0xFFFFFFF0]  }
0x26: {  	s12 =	sadd.s32 $0x10, s11  }
0x27: {  	v61 =	vmov s12  }
0x28: {  	v4 =	vshll.u32 v61, $0x6  }
0x29: {  	v4 =	vor.u32 v1, v4  }
0x2a: {  	v3 =	vadd.s32 v4, v3;
	_ =	sdelay $0x4  }
0x2b: {  	[tilespmem:v3+s7+$0x0] =	vst.idx.msk $0xffff, v2  }
0x2c: {  	v3 =	vld [tilespmem:s9+$0x0]  }
0x2d: {  	s30 =	sadd.s32 $0x20, s11  }
0x2e: {  	v62 =	vmov s30  }
0x2f: {  	v4 =	vshll.u32 v62, $0x6  }
0x30: {  	v4 =	vor.u32 v1, v4  }
0x31: {  	v3 =	vadd.s32 v4, v3;
	_ =	sdelay $0x4  }
0x32: {  	[tilespmem:v3+s7+$0x0] =	vst.idx.msk $0xffff, v2  }
0x33: {  	v3 =	vld [tilespmem:s9+$0x10]  }
0x34: {  	s31 =	sadd.s32 $0x30, s11  }
0x35: {  	v63 =	vmov s31  }
0x36: {  	v4 =	vshll.u32 v63, $0x6  }
0x37: {  	s10 =	sadd.s32 $0x4, s10;
	v4 =	vor.u32 v1, v4  }
0x38: {  	p0 =	slt.u32 s10, $0xC;
	v3 =	vadd.s32 v4, v3  }
.Ltmp1:
0x39: {  	_ = 	snop;
	(pc) =	sbr.rel @p0 .LBB2_4-.Ltmp1, $2  }
0x3a: {  	_ =	sdelay $0x2  }
0x3b: {  	s11 =	sadd.s32 $0x40, s11;
	s9 =	sadd.s32 $0x40, s9;
	[tilespmem:v3+s7+$0x0] =	vst.idx.msk $0xffff, v2  }
0x3c: {  	s8 =	sadd.s32 $0x1, s8  }
0x3d: {  	p0 =	sne.s32 s8, s5  }
.Ltmp2:
0x3e: {  	_ = 	snop;
	(pc) =	sbr.rel @p0 .LBB2_1-.Ltmp2, $4  }
0x3f: {  	[hbm4b:s4+s2] =	stream.linear.scatter [tilespmem:s7], [sflag:$0x1], $0x4000, $0x38;
	[tilespmem:$0x4100] =	vst v63  }
0x40: {  	_ =	swait.ge [sflag:s6], $0x4000  }
0x41: {  	[sflag:s6] =	ssyncset.done $0x0  }
0x42: {  	[sflag:s6] =	ssyncadd.s32 $0xFFFFC000  }
0x43: {  	_ =	sfence.sel $0x180000  }
0x44: {  	[bflag:$0x0] =	sbarrier.arrive $0xFFFF  }
0x45: {  	p0 =	sne.s32 s1, $0x0;
	_ =	strace $0x90000047  }
0x46: {  	s0 =	sadd.s32 @!p0 $0x100000, s0;
	[bflag:$0x2] =	sbarrier.arrive $0xFFFF  }
0x47: {  	[sflag:s0] =	ssyncadd.tile.s32 @!p0 $0x1;
	_ =	shalt  }
.Lfunc_end2:
_tile_overlayer_lowered:
.L_overlay_start_2:
0x48: {  	(tag) =	ssettag $0x2  }
0x49: {  	s0 =	rddreg [dreg:$0x0];
	s2 =	stileid.u32  }
0x4a: {  	s1 =	rddreg [dreg:$0x1];
	p0 =	sne.s32 s2, $0x0  }
0x4b: {  	s3 =	rddreg [dreg:$0x2];
	[bflag:$0x3] =	sbarrier.arrive $0xFFFF;
	s2 =	simm.s32 @!p0 $0x1C01  }
0x4c: {  	[timem:s3], [sflag:s2] =	dma.local @!p0 [hbm:s0], s1  }
0x4d: {  	s0 =	simm.s32 @!p0 $0x1  }
0x4e: {  	_ =	swait.ge @!p0 [sflag:s0], s1  }
0x4f: {  	s1 =	ssub.s32 @!p0 $0x0, s1;
	[sflag:s0] =	ssyncset.done @!p0 $0x0  }
0x50: {  	[sflag:s0] =	ssyncadd.s32 @!p0 s1  }
0x51: {  	[bflag:$0x3] =	sbarrier.arrive $0xFFFF  }
0x52: {  	_ =	shalt  }

</sc_bundles>
